<compile_context>
chip_gen: v7x
topology: tpu7x:2x2x1
jax: 0.10.2.dev20260603
libtpu: 0.0.44.dev20260713+nightly
codegen_flags: <defaults>
</compile_context>

<pallas_src>
import jax
import jax.numpy as jnp
from jax import lax
from jax.experimental import pallas as pl
from jax.experimental.pallas import tpu as pltpu
from jax.experimental.pallas import tpu_sc as plsc

_B = 16384
_D = 64
_L = 16
_NC = 2
_NS = 16
_NW = _NC * _NS

_NB_SC = 4096
_B_TC = _B - _NB_SC
_SC_ROWS = _NB_SC // _NW


def _sc_body(sre_h, sim_h, rre_h, rim_h, ore_h, oim_h, out_h, *scratch):
    bufs = scratch[0:6]
    out_v = scratch[6]
    sem, osem = scratch[7], scratch[8]
    hbms = (sre_h, sim_h, rre_h, rim_h, ore_h, oim_h)

    wid = lax.axis_index("s") * _NC + lax.axis_index("c")
    base_col = _B_TC + wid * _SC_ROWS

    pend = [pltpu.async_copy(h.at[:, pl.ds(base_col, _SC_ROWS)], v, sem)
            for h, v in zip(hbms, bufs)]
    for h in pend:
        h.wait()
    sre_v, sim_v, rre_v, rim_v, ore_v, oim_v = bufs

    @plsc.parallel_loop(0, _SC_ROWS // _L, unroll=1)
    def grp_body(j):
        col = j * _L

        def d_body(d4, accs):
            new = []
            for q in range(4):
                d = d4 * 4 + q
                vs_re = sre_v[d, pl.ds(col, _L)]
                vs_im = sim_v[d, pl.ds(col, _L)]
                vr_re = rre_v[d, pl.ds(col, _L)]
                vr_im = rim_v[d, pl.ds(col, _L)]
                vo_re = ore_v[d, pl.ds(col, _L)]
                vo_im = oim_v[d, pl.ds(col, _L)]
                u = vs_re * vo_re + vs_im * vo_im
                w = vs_re * vo_im - vs_im * vo_re
                new.append(accs[q] + vr_re * u + vr_im * w)
            return tuple(new)

        accs = lax.fori_loop(
            0, _D // 4, d_body,
            tuple(jnp.zeros((_L,), jnp.float32) for _ in range(4)))
        out_v[pl.ds(col, _L)] = (accs[0] + accs[1]) + (accs[2] + accs[3])

    pltpu.async_copy(out_v, out_h.at[pl.ds(wid * _SC_ROWS, _SC_ROWS)],
                     osem).wait()


def _sc_score(sre, sim, rre, rim, ore, oim):
    mesh = plsc.VectorSubcoreMesh(core_axis_name="c", subcore_axis_name="s")
    f = pl.kernel(
        _sc_body,
        out_type=jax.ShapeDtypeStruct((_NB_SC,), jnp.float32),
        mesh=mesh,
        scratch_types=[pltpu.VMEM((_D, _SC_ROWS), jnp.float32)
                       for _ in range(6)]
                      + [pltpu.VMEM((_SC_ROWS,), jnp.float32)]
                      + [pltpu.SemaphoreType.DMA for _ in range(2)],
    )
    return f(sre, sim, rre, rim, ore, oim)


_TCC = 3072
_TCN = _B_TC // _TCC


def _tc_block(sre, sim, rre, rim, ore, oim, out):
    u = sre[...] * ore[...] + sim[...] * oim[...]
    w = sre[...] * oim[...] - sim[...] * ore[...]
    combo = rre[...] * u + rim[...] * w
    out[...] = jnp.sum(combo, axis=0, keepdims=True)


def _tc_score(sre, sim, rre, rim, ore, oim):
    in_spec = pl.BlockSpec((_D, _TCC), lambda i: (0, i))
    return pl.pallas_call(
        _tc_block,
        grid=(_TCN,),
        in_specs=[in_spec] * 6,
        out_specs=pl.BlockSpec((1, _TCC), lambda i: (0, i)),
        out_shape=jax.ShapeDtypeStruct((1, _B_TC), jnp.float32),
        compiler_params=pltpu.CompilerParams(
            dimension_semantics=("parallel",)),
    )(sre, sim, rre, rim, ore, oim)


@jax.jit
def _score(*cols):
    tc_out = _tc_score(*cols)
    sc_out = _sc_score(*cols)
    return jnp.concatenate([tc_out.reshape(-1), sc_out])


def kernel(s_re, s_im, r_re, r_im, o_re, o_im):
    cols = [jnp.squeeze(x, 1).T
            for x in (s_re, s_im, r_re, r_im, o_re, o_im)]
    return _score(*cols).reshape(_B, 1)

# --- scband reference (transcript-rebuilt; emitter-appended) ---
"""Pipeline reference for scband-compl-ex-score-15436112462500 (READ-ONLY COPY).

The authoritative reference and input builder live on the scoring server;
editing this copy changes nothing except your own understanding.
"""

import jax, jax.numpy as jnp
import numpy as np

B = 16384
D = 64

def setup_inputs(seed: int = 0) -> dict:
    key = jax.random.key(seed)
    ks = jax.random.split(key, 6)
    names = ["s_re", "s_im", "r_re", "r_im", "o_re", "o_im"]
    return {n: jax.random.normal(k, (B, 1, D), dtype=jnp.float32) for n, k in zip(names, ks)}

def reference(s_re, s_im, r_re, r_im, o_re, o_im):
    # Faithful translation of ComplExScore.call:
    # score = <r_re, s_re, o_re> + <r_re, s_im, o_im> + <r_im, s_re, o_im> - <r_im, s_im, o_re>
    def inner(r, s, o):
        return jnp.sum(r * s * o, axis=2)
    score = inner(r_re, s_re, o_re) + inner(r_re, s_im, o_im) + inner(r_im, s_re, o_im) - inner(r_im, s_im, o_re)
    return score

if __name__ == "__main__":
    import jax
    _d = setup_inputs()
    print(jax.jit(kernel)(*tuple(_d.values())))

</pallas_src>

<mosaic_0001>
#map = affine_map<(d0, d1) -> (0, 0)>
#map1 = affine_map<(d0, d1) -> (0)>
module attributes {stable_mosaic.version = 14 : i64} {
  func.func @_sc_body(%arg0: i32, %arg1: i32, %arg2: memref<64x16384xf32, #tpu.memory_space<hbm>>, %arg3: memref<64x16384xf32, #tpu.memory_space<hbm>>, %arg4: memref<64x16384xf32, #tpu.memory_space<hbm>>, %arg5: memref<64x16384xf32, #tpu.memory_space<hbm>>, %arg6: memref<64x16384xf32, #tpu.memory_space<hbm>>, %arg7: memref<64x16384xf32, #tpu.memory_space<hbm>>, %arg8: memref<4096xf32, #tpu.memory_space<hbm>>, %arg9: memref<64x128xf32, #tpu.memory_space<vmem>>, %arg10: memref<64x128xf32, #tpu.memory_space<vmem>>, %arg11: memref<64x128xf32, #tpu.memory_space<vmem>>, %arg12: memref<64x128xf32, #tpu.memory_space<vmem>>, %arg13: memref<64x128xf32, #tpu.memory_space<vmem>>, %arg14: memref<64x128xf32, #tpu.memory_space<vmem>>, %arg15: memref<128xf32, #tpu.memory_space<vmem>>, %arg16: memref<!tpu.dma_semaphore, #tpu.memory_space<semaphore_mem>>, %arg17: memref<!tpu.dma_semaphore, #tpu.memory_space<semaphore_mem>>) attributes {dimension_semantics = [#tpu.dimension_semantics<core_parallel>, #tpu.dimension_semantics<subcore_parallel>], iteration_bounds = array<i64: 2, 16>, scalar_prefetch = 0 : i64, scratch_operands = 9 : i64, tpu.core_type = #tpu.core_type<sc_vector_subcore>, window_params = [{transform_indices = #map}, {transform_indices = #map}, {transform_indices = #map}, {transform_indices = #map}, {transform_indices = #map}, {transform_indices = #map}, {transform_indices = #map1}]} {
    %mul3A = arith.constant 2 : i32
    %mul3A_0 = arith.muli %arg1, %mul3A : i32
    %add3A = arith.addi %mul3A_0, %arg0 : i32
    %mul3A_1 = arith.constant 128 : i32
    %mul3A_2 = arith.muli %add3A, %mul3A_1 : i32
    %add3A_3 = arith.constant 12288 : i32
    %add3A_4 = arith.addi %add3A_3, %mul3A_2 : i32
    %dma_start3A = arith.constant 0 : i32
    %dma_start3A_5 = tpu.memref_slice %arg2[%dma_start3A, %add3A_4] : memref<64x16384xf32, #tpu.memory_space<hbm>> -> memref<64x128xf32, #tpu.memory_space<hbm>>
    %dma_start3A_6 = arith.constant 0 : i32
    %dma_start3A_7 = tpu.memref_slice %arg2[%dma_start3A_6, %add3A_4] : memref<64x16384xf32, #tpu.memory_space<hbm>> -> memref<64x128xf32, #tpu.memory_space<hbm>>
    tpu.enqueue_dma source(%dma_start3A_7 : memref<64x128xf32, #tpu.memory_space<hbm>>) target(%arg9 : memref<64x128xf32, #tpu.memory_space<vmem>>) target_semaphore(%arg16 : memref<!tpu.dma_semaphore, #tpu.memory_space<semaphore_mem>>)
    %dma_start3A_8 = arith.constant 0 : i32
    %dma_start3A_9 = tpu.memref_slice %arg3[%dma_start3A_8, %add3A_4] : memref<64x16384xf32, #tpu.memory_space<hbm>> -> memref<64x128xf32, #tpu.memory_space<hbm>>
    %dma_start3A_10 = arith.constant 0 : i32
    %dma_start3A_11 = tpu.memref_slice %arg3[%dma_start3A_10, %add3A_4] : memref<64x16384xf32, #tpu.memory_space<hbm>> -> memref<64x128xf32, #tpu.memory_space<hbm>>
    tpu.enqueue_dma source(%dma_start3A_11 : memref<64x128xf32, #tpu.memory_space<hbm>>) target(%arg10 : memref<64x128xf32, #tpu.memory_space<vmem>>) target_semaphore(%arg16 : memref<!tpu.dma_semaphore, #tpu.memory_space<semaphore_mem>>)
    %dma_start3A_12 = arith.constant 0 : i32
    %dma_start3A_13 = tpu.memref_slice %arg4[%dma_start3A_12, %add3A_4] : memref<64x16384xf32, #tpu.memory_space<hbm>> -> memref<64x128xf32, #tpu.memory_space<hbm>>
    %dma_start3A_14 = arith.constant 0 : i32
    %dma_start3A_15 = tpu.memref_slice %arg4[%dma_start3A_14, %add3A_4] : memref<64x16384xf32, #tpu.memory_space<hbm>> -> memref<64x128xf32, #tpu.memory_space<hbm>>
    tpu.enqueue_dma source(%dma_start3A_15 : memref<64x128xf32, #tpu.memory_space<hbm>>) target(%arg11 : memref<64x128xf32, #tpu.memory_space<vmem>>) target_semaphore(%arg16 : memref<!tpu.dma_semaphore, #tpu.memory_space<semaphore_mem>>)
    %dma_start3A_16 = arith.constant 0 : i32
    %dma_start3A_17 = tpu.memref_slice %arg5[%dma_start3A_16, %add3A_4] : memref<64x16384xf32, #tpu.memory_space<hbm>> -> memref<64x128xf32, #tpu.memory_space<hbm>>
    %dma_start3A_18 = arith.constant 0 : i32
    %dma_start3A_19 = tpu.memref_slice %arg5[%dma_start3A_18, %add3A_4] : memref<64x16384xf32, #tpu.memory_space<hbm>> -> memref<64x128xf32, #tpu.memory_space<hbm>>
    tpu.enqueue_dma source(%dma_start3A_19 : memref<64x128xf32, #tpu.memory_space<hbm>>) target(%arg12 : memref<64x128xf32, #tpu.memory_space<vmem>>) target_semaphore(%arg16 : memref<!tpu.dma_semaphore, #tpu.memory_space<semaphore_mem>>)
    %dma_start3A_20 = arith.constant 0 : i32
    %dma_start3A_21 = tpu.memref_slice %arg6[%dma_start3A_20, %add3A_4] : memref<64x16384xf32, #tpu.memory_space<hbm>> -> memref<64x128xf32, #tpu.memory_space<hbm>>
    %dma_start3A_22 = arith.constant 0 : i32
    %dma_start3A_23 = tpu.memref_slice %arg6[%dma_start3A_22, %add3A_4] : memref<64x16384xf32, #tpu.memory_space<hbm>> -> memref<64x128xf32, #tpu.memory_space<hbm>>
    tpu.enqueue_dma source(%dma_start3A_23 : memref<64x128xf32, #tpu.memory_space<hbm>>) target(%arg13 : memref<64x128xf32, #tpu.memory_space<vmem>>) target_semaphore(%arg16 : memref<!tpu.dma_semaphore, #tpu.memory_space<semaphore_mem>>)
    %dma_start3A_24 = arith.constant 0 : i32
    %dma_start3A_25 = tpu.memref_slice %arg7[%dma_start3A_24, %add3A_4] : memref<64x16384xf32, #tpu.memory_space<hbm>> -> memref<64x128xf32, #tpu.memory_space<hbm>>
    %dma_start3A_26 = arith.constant 0 : i32
    %dma_start3A_27 = tpu.memref_slice %arg7[%dma_start3A_26, %add3A_4] : memref<64x16384xf32, #tpu.memory_space<hbm>> -> memref<64x128xf32, #tpu.memory_space<hbm>>
    tpu.enqueue_dma source(%dma_start3A_27 : memref<64x128xf32, #tpu.memory_space<hbm>>) target(%arg14 : memref<64x128xf32, #tpu.memory_space<vmem>>) target_semaphore(%arg16 : memref<!tpu.dma_semaphore, #tpu.memory_space<semaphore_mem>>)
    %dma_wait3A = arith.constant 0 : i32
    %dma_wait3A_28 = tpu.memref_slice %arg2[%dma_wait3A, %add3A_4] : memref<64x16384xf32, #tpu.memory_space<hbm>> -> memref<64x128xf32, #tpu.memory_space<hbm>>
    %dma_wait3A_29 = arith.constant 0 : i32
    %dma_wait3A_30 = tpu.memref_slice %arg2[%dma_wait3A_29, %add3A_4] : memref<64x16384xf32, #tpu.memory_space<hbm>> -> memref<64x128xf32, #tpu.memory_space<hbm>>
    tpu.wait_dma2 semaphore(%arg16 : memref<!tpu.dma_semaphore, #tpu.memory_space<semaphore_mem>>) src(%dma_wait3A_30 : memref<64x128xf32, #tpu.memory_space<hbm>>) dst(%arg9 : memref<64x128xf32, #tpu.memory_space<vmem>>)
    %dma_wait3A_31 = arith.constant 0 : i32
    %dma_wait3A_32 = tpu.memref_slice %arg3[%dma_wait3A_31, %add3A_4] : memref<64x16384xf32, #tpu.memory_space<hbm>> -> memref<64x128xf32, #tpu.memory_space<hbm>>
    %dma_wait3A_33 = arith.constant 0 : i32
    %dma_wait3A_34 = tpu.memref_slice %arg3[%dma_wait3A_33, %add3A_4] : memref<64x16384xf32, #tpu.memory_space<hbm>> -> memref<64x128xf32, #tpu.memory_space<hbm>>
    tpu.wait_dma2 semaphore(%arg16 : memref<!tpu.dma_semaphore, #tpu.memory_space<semaphore_mem>>) src(%dma_wait3A_34 : memref<64x128xf32, #tpu.memory_space<hbm>>) dst(%arg10 : memref<64x128xf32, #tpu.memory_space<vmem>>)
    %dma_wait3A_35 = arith.constant 0 : i32
    %dma_wait3A_36 = tpu.memref_slice %arg4[%dma_wait3A_35, %add3A_4] : memref<64x16384xf32, #tpu.memory_space<hbm>> -> memref<64x128xf32, #tpu.memory_space<hbm>>
    %dma_wait3A_37 = arith.constant 0 : i32
    %dma_wait3A_38 = tpu.memref_slice %arg4[%dma_wait3A_37, %add3A_4] : memref<64x16384xf32, #tpu.memory_space<hbm>> -> memref<64x128xf32, #tpu.memory_space<hbm>>
    tpu.wait_dma2 semaphore(%arg16 : memref<!tpu.dma_semaphore, #tpu.memory_space<semaphore_mem>>) src(%dma_wait3A_38 : memref<64x128xf32, #tpu.memory_space<hbm>>) dst(%arg11 : memref<64x128xf32, #tpu.memory_space<vmem>>)
    %dma_wait3A_39 = arith.constant 0 : i32
    %dma_wait3A_40 = tpu.memref_slice %arg5[%dma_wait3A_39, %add3A_4] : memref<64x16384xf32, #tpu.memory_space<hbm>> -> memref<64x128xf32, #tpu.memory_space<hbm>>
    %dma_wait3A_41 = arith.constant 0 : i32
    %dma_wait3A_42 = tpu.memref_slice %arg5[%dma_wait3A_41, %add3A_4] : memref<64x16384xf32, #tpu.memory_space<hbm>> -> memref<64x128xf32, #tpu.memory_space<hbm>>
    tpu.wait_dma2 semaphore(%arg16 : memref<!tpu.dma_semaphore, #tpu.memory_space<semaphore_mem>>) src(%dma_wait3A_42 : memref<64x128xf32, #tpu.memory_space<hbm>>) dst(%arg12 : memref<64x128xf32, #tpu.memory_space<vmem>>)
    %dma_wait3A_43 = arith.constant 0 : i32
    %dma_wait3A_44 = tpu.memref_slice %arg6[%dma_wait3A_43, %add3A_4] : memref<64x16384xf32, #tpu.memory_space<hbm>> -> memref<64x128xf32, #tpu.memory_space<hbm>>
    %dma_wait3A_45 = arith.constant 0 : i32
    %dma_wait3A_46 = tpu.memref_slice %arg6[%dma_wait3A_45, %add3A_4] : memref<64x16384xf32, #tpu.memory_space<hbm>> -> memref<64x128xf32, #tpu.memory_space<hbm>>
    tpu.wait_dma2 semaphore(%arg16 : memref<!tpu.dma_semaphore, #tpu.memory_space<semaphore_mem>>) src(%dma_wait3A_46 : memref<64x128xf32, #tpu.memory_space<hbm>>) dst(%arg13 : memref<64x128xf32, #tpu.memory_space<vmem>>)
    %dma_wait3A_47 = arith.constant 0 : i32
    %dma_wait3A_48 = tpu.memref_slice %arg7[%dma_wait3A_47, %add3A_4] : memref<64x16384xf32, #tpu.memory_space<hbm>> -> memref<64x128xf32, #tpu.memory_space<hbm>>
    %dma_wait3A_49 = arith.constant 0 : i32
    %dma_wait3A_50 = tpu.memref_slice %arg7[%dma_wait3A_49, %add3A_4] : memref<64x16384xf32, #tpu.memory_space<hbm>> -> memref<64x128xf32, #tpu.memory_space<hbm>>
    tpu.wait_dma2 semaphore(%arg16 : memref<!tpu.dma_semaphore, #tpu.memory_space<semaphore_mem>>) src(%dma_wait3A_50 : memref<64x128xf32, #tpu.memory_space<hbm>>) dst(%arg14 : memref<64x128xf32, #tpu.memory_space<vmem>>)
    %parallel_loop3A = arith.constant 0 : i32
    %parallel_loop3A_51 = arith.constant 8 : i32
    %parallel_loop3A_52 = arith.constant 1 : i32
    scf.for %parallel_loop3A_59 = %parallel_loop3A to %parallel_loop3A_51 step %parallel_loop3A_52  : i32 {
      %parallel_loop3A_60 = arith.constant 16 : i32
      %parallel_loop3A_61 = arith.muli %parallel_loop3A_59, %parallel_loop3A_60 : i32
      %parallel_loop3A_62 = arith.constant 0.000000e+00 : f32
      %parallel_loop3A_63 = vector.broadcast %parallel_loop3A_62 : f32 to vector<16xf32>
      %parallel_loop3A_64 = arith.constant 0.000000e+00 : f32
      %parallel_loop3A_65 = vector.broadcast %parallel_loop3A_64 : f32 to vector<16xf32>
      %parallel_loop3A_66 = arith.constant 0.000000e+00 : f32
      %parallel_loop3A_67 = vector.broadcast %parallel_loop3A_66 : f32 to vector<16xf32>
      %parallel_loop3A_68 = arith.constant 0.000000e+00 : f32
      %parallel_loop3A_69 = vector.broadcast %parallel_loop3A_68 : f32 to vector<16xf32>
      %parallel_loop3A_70 = arith.constant 0 : i32
      %parallel_loop3A_71 = arith.constant 16 : i32
      %parallel_loop3A_72 = arith.addi %parallel_loop3A_70, %parallel_loop3A_71 : i32
      %parallel_loop3A_73 = arith.constant 1 : i32
      %parallel_loop3A_74:4 = scf.for %scan3A = %parallel_loop3A_70 to %parallel_loop3A_72 step %parallel_loop3A_73 iter_args(%scan3A_83 = %parallel_loop3A_63, %scan3A_84 = %parallel_loop3A_65, %scan3A_85 = %parallel_loop3A_67, %scan3A_86 = %parallel_loop3A_69) -> (vector<16xf32>, vector<16xf32>, vector<16xf32>, vector<16xf32>)  : i32 {
        %parallel_loop3A_87 = arith.constant 4 : i32
        %parallel_loop3A_88 = arith.muli %scan3A, %parallel_loop3A_87 : i32
        %parallel_loop3A_89 = arith.constant 0 : i32
        %parallel_loop3A_90 = arith.addi %parallel_loop3A_88, %parallel_loop3A_89 : i32
        %parallel_loop3A_91 = arith.index_cast %parallel_loop3A_90 : i32 to index
        %parallel_loop3A_92 = arith.index_cast %parallel_loop3A_61 : i32 to index
        %parallel_loop3A_93 = tpu.vector_load %arg9[%parallel_loop3A_91, %parallel_loop3A_92] {strides = array<i32>} : memref<64x128xf32, #tpu.memory_space<vmem>>, vector<1x16xf32>,
        %parallel_loop3A_94 = vector.shape_cast %parallel_loop3A_93 : vector<1x16xf32> to vector<16xf32>
        %parallel_loop3A_95 = arith.index_cast %parallel_loop3A_90 : i32 to index
        %parallel_loop3A_96 = arith.index_cast %parallel_loop3A_61 : i32 to index
        %parallel_loop3A_97 = tpu.vector_load %arg10[%parallel_loop3A_95, %parallel_loop3A_96] {strides = array<i32>} : memref<64x128xf32, #tpu.memory_space<vmem>>, vector<1x16xf32>,
        %parallel_loop3A_98 = vector.shape_cast %parallel_loop3A_97 : vector<1x16xf32> to vector<16xf32>
        %parallel_loop3A_99 = arith.index_cast %parallel_loop3A_90 : i32 to index
        %parallel_loop3A_100 = arith.index_cast %parallel_loop3A_61 : i32 to index
        %parallel_loop3A_101 = tpu.vector_load %arg11[%parallel_loop3A_99, %parallel_loop3A_100] {strides = array<i32>} : memref<64x128xf32, #tpu.memory_space<vmem>>, vector<1x16xf32>,
        %parallel_loop3A_102 = vector.shape_cast %parallel_loop3A_101 : vector<1x16xf32> to vector<16xf32>
        %parallel_loop3A_103 = arith.index_cast %parallel_loop3A_90 : i32 to index
        %parallel_loop3A_104 = arith.index_cast %parallel_loop3A_61 : i32 to index
        %parallel_loop3A_105 = tpu.vector_load %arg12[%parallel_loop3A_103, %parallel_loop3A_104] {strides = array<i32>} : memref<64x128xf32, #tpu.memory_space<vmem>>, vector<1x16xf32>,
        %parallel_loop3A_106 = vector.shape_cast %parallel_loop3A_105 : vector<1x16xf32> to vector<16xf32>
        %parallel_loop3A_107 = arith.index_cast %parallel_loop3A_90 : i32 to index
        %parallel_loop3A_108 = arith.index_cast %parallel_loop3A_61 : i32 to index
        %parallel_loop3A_109 = tpu.vector_load %arg13[%parallel_loop3A_107, %parallel_loop3A_108] {strides = array<i32>} : memref<64x128xf32, #tpu.memory_space<vmem>>, vector<1x16xf32>,
        %parallel_loop3A_110 = vector.shape_cast %parallel_loop3A_109 : vector<1x16xf32> to vector<16xf32>
        %parallel_loop3A_111 = arith.index_cast %parallel_loop3A_90 : i32 to index
        %parallel_loop3A_112 = arith.index_cast %parallel_loop3A_61 : i32 to index
        %parallel_loop3A_113 = tpu.vector_load %arg14[%parallel_loop3A_111, %parallel_loop3A_112] {strides = array<i32>} : memref<64x128xf32, #tpu.memory_space<vmem>>, vector<1x16xf32>,
        %parallel_loop3A_114 = vector.shape_cast %parallel_loop3A_113 : vector<1x16xf32> to vector<16xf32>
        %parallel_loop3A_115 = arith.mulf %parallel_loop3A_94, %parallel_loop3A_110 : vector<16xf32>
        %parallel_loop3A_116 = arith.mulf %parallel_loop3A_98, %parallel_loop3A_114 : vector<16xf32>
        %parallel_loop3A_117 = arith.addf %parallel_loop3A_115, %parallel_loop3A_116 : vector<16xf32>
        %parallel_loop3A_118 = arith.mulf %parallel_loop3A_94, %parallel_loop3A_114 : vector<16xf32>
        %parallel_loop3A_119 = arith.mulf %parallel_loop3A_98, %parallel_loop3A_110 : vector<16xf32>
        %parallel_loop3A_120 = arith.subf %parallel_loop3A_118, %parallel_loop3A_119 : vector<16xf32>
        %parallel_loop3A_121 = arith.mulf %parallel_loop3A_102, %parallel_loop3A_117 : vector<16xf32>
        %parallel_loop3A_122 = arith.addf %scan3A_83, %parallel_loop3A_121 : vector<16xf32>
        %parallel_loop3A_123 = arith.mulf %parallel_loop3A_106, %parallel_loop3A_120 : vector<16xf32>
        %parallel_loop3A_124 = arith.addf %parallel_loop3A_122, %parallel_loop3A_123 : vector<16xf32>
        %parallel_loop3A_125 = arith.constant 4 : i32
        %parallel_loop3A_126 = arith.muli %scan3A, %parallel_loop3A_125 : i32
        %parallel_loop3A_127 = arith.constant 1 : i32
        %parallel_loop3A_128 = arith.addi %parallel_loop3A_126, %parallel_loop3A_127 : i32
        %parallel_loop3A_129 = arith.index_cast %parallel_loop3A_128 : i32 to index
        %parallel_loop3A_130 = arith.index_cast %parallel_loop3A_61 : i32 to index
        %parallel_loop3A_131 = tpu.vector_load %arg9[%parallel_loop3A_129, %parallel_loop3A_130] {strides = array<i32>} : memref<64x128xf32, #tpu.memory_space<vmem>>, vector<1x16xf32>,
        %parallel_loop3A_132 = vector.shape_cast %parallel_loop3A_131 : vector<1x16xf32> to vector<16xf32>
        %parallel_loop3A_133 = arith.index_cast %parallel_loop3A_128 : i32 to index
        %parallel_loop3A_134 = arith.index_cast %parallel_loop3A_61 : i32 to index
        %parallel_loop3A_135 = tpu.vector_load %arg10[%parallel_loop3A_133, %parallel_loop3A_134] {strides = array<i32>} : memref<64x128xf32, #tpu.memory_space<vmem>>, vector<1x16xf32>,
        %parallel_loop3A_136 = vector.shape_cast %parallel_loop3A_135 : vector<1x16xf32> to vector<16xf32>
        %parallel_loop3A_137 = arith.index_cast %parallel_loop3A_128 : i32 to index
        %parallel_loop3A_138 = arith.index_cast %parallel_loop3A_61 : i32 to index
        %parallel_loop3A_139 = tpu.vector_load %arg11[%parallel_loop3A_137, %parallel_loop3A_138] {strides = array<i32>} : memref<64x128xf32, #tpu.memory_space<vmem>>, vector<1x16xf32>,
        %parallel_loop3A_140 = vector.shape_cast %parallel_loop3A_139 : vector<1x16xf32> to vector<16xf32>
        %parallel_loop3A_141 = arith.index_cast %parallel_loop3A_128 : i32 to index
        %parallel_loop3A_142 = arith.index_cast %parallel_loop3A_61 : i32 to index
        %parallel_loop3A_143 = tpu.vector_load %arg12[%parallel_loop3A_141, %parallel_loop3A_142] {strides = array<i32>} : memref<64x128xf32, #tpu.memory_space<vmem>>, vector<1x16xf32>,
        %parallel_loop3A_144 = vector.shape_cast %parallel_loop3A_143 : vector<1x16xf32> to vector<16xf32>
        %parallel_loop3A_145 = arith.index_cast %parallel_loop3A_128 : i32 to index
        %parallel_loop3A_146 = arith.index_cast %parallel_loop3A_61 : i32 to index
        %parallel_loop3A_147 = tpu.vector_load %arg13[%parallel_loop3A_145, %parallel_loop3A_146] {strides = array<i32>} : memref<64x128xf32, #tpu.memory_space<vmem>>, vector<1x16xf32>,
        %parallel_loop3A_148 = vector.shape_cast %parallel_loop3A_147 : vector<1x16xf32> to vector<16xf32>
        %parallel_loop3A_149 = arith.index_cast %parallel_loop3A_128 : i32 to index
        %parallel_loop3A_150 = arith.index_cast %parallel_loop3A_61 : i32 to index
        %parallel_loop3A_151 = tpu.vector_load %arg14[%parallel_loop3A_149, %parallel_loop3A_150] {strides = array<i32>} : memref<64x128xf32, #tpu.memory_space<vmem>>, vector<1x16xf32>,
        %parallel_loop3A_152 = vector.shape_cast %parallel_loop3A_151 : vector<1x16xf32> to vector<16xf32>
        %parallel_loop3A_153 = arith.mulf %parallel_loop3A_132, %parallel_loop3A_148 : vector<16xf32>
        %parallel_loop3A_154 = arith.mulf %parallel_loop3A_136, %parallel_loop3A_152 : vector<16xf32>
        %parallel_loop3A_155 = arith.addf %parallel_loop3A_153, %parallel_loop3A_154 : vector<16xf32>
        %parallel_loop3A_156 = arith.mulf %parallel_loop3A_132, %parallel_loop3A_152 : vector<16xf32>
        %parallel_loop3A_157 = arith.mulf %parallel_loop3A_136, %parallel_loop3A_148 : vector<16xf32>
        %parallel_loop3A_158 = arith.subf %parallel_loop3A_156, %parallel_loop3A_157 : vector<16xf32>
        %parallel_loop3A_159 = arith.mulf %parallel_loop3A_140, %parallel_loop3A_155 : vector<16xf32>
        %parallel_loop3A_160 = arith.addf %scan3A_84, %parallel_loop3A_159 : vector<16xf32>
        %parallel_loop3A_161 = arith.mulf %parallel_loop3A_144, %parallel_loop3A_158 : vector<16xf32>
        %parallel_loop3A_162 = arith.addf %parallel_loop3A_160, %parallel_loop3A_161 : vector<16xf32>
        %parallel_loop3A_163 = arith.constant 4 : i32
        %parallel_loop3A_164 = arith.muli %scan3A, %parallel_loop3A_163 : i32
        %parallel_loop3A_165 = arith.constant 2 : i32
        %parallel_loop3A_166 = arith.addi %parallel_loop3A_164, %parallel_loop3A_165 : i32
        %parallel_loop3A_167 = arith.index_cast %parallel_loop3A_166 : i32 to index
        %parallel_loop3A_168 = arith.index_cast %parallel_loop3A_61 : i32 to index
        %parallel_loop3A_169 = tpu.vector_load %arg9[%parallel_loop3A_167, %parallel_loop3A_168] {strides = array<i32>} : memref<64x128xf32, #tpu.memory_space<vmem>>, vector<1x16xf32>,
        %parallel_loop3A_170 = vector.shape_cast %parallel_loop3A_169 : vector<1x16xf32> to vector<16xf32>
        %parallel_loop3A_171 = arith.index_cast %parallel_loop3A_166 : i32 to index
        %parallel_loop3A_172 = arith.index_cast %parallel_loop3A_61 : i32 to index
        %parallel_loop3A_173 = tpu.vector_load %arg10[%parallel_loop3A_171, %parallel_loop3A_172] {strides = array<i32>} : memref<64x128xf32, #tpu.memory_space<vmem>>, vector<1x16xf32>,
        %parallel_loop3A_174 = vector.shape_cast %parallel_loop3A_173 : vector<1x16xf32> to vector<16xf32>
        %parallel_loop3A_175 = arith.index_cast %parallel_loop3A_166 : i32 to index
        %parallel_loop3A_176 = arith.index_cast %parallel_loop3A_61 : i32 to index
        %parallel_loop3A_177 = tpu.vector_load %arg11[%parallel_loop3A_175, %parallel_loop3A_176] {strides = array<i32>} : memref<64x128xf32, #tpu.memory_space<vmem>>, vector<1x16xf32>,
        %parallel_loop3A_178 = vector.shape_cast %parallel_loop3A_177 : vector<1x16xf32> to vector<16xf32>
        %parallel_loop3A_179 = arith.index_cast %parallel_loop3A_166 : i32 to index
        %parallel_loop3A_180 = arith.index_cast %parallel_loop3A_61 : i32 to index
        %parallel_loop3A_181 = tpu.vector_load %arg12[%parallel_loop3A_179, %parallel_loop3A_180] {strides = array<i32>} : memref<64x128xf32, #tpu.memory_space<vmem>>, vector<1x16xf32>,
        %parallel_loop3A_182 = vector.shape_cast %parallel_loop3A_181 : vector<1x16xf32> to vector<16xf32>
        %parallel_loop3A_183 = arith.index_cast %parallel_loop3A_166 : i32 to index
        %parallel_loop3A_184 = arith.index_cast %parallel_loop3A_61 : i32 to index
        %parallel_loop3A_185 = tpu.vector_load %arg13[%parallel_loop3A_183, %parallel_loop3A_184] {strides = array<i32>} : memref<64x128xf32, #tpu.memory_space<vmem>>, vector<1x16xf32>,
        %parallel_loop3A_186 = vector.shape_cast %parallel_loop3A_185 : vector<1x16xf32> to vector<16xf32>
        %parallel_loop3A_187 = arith.index_cast %parallel_loop3A_166 : i32 to index
        %parallel_loop3A_188 = arith.index_cast %parallel_loop3A_61 : i32 to index
        %parallel_loop3A_189 = tpu.vector_load %arg14[%parallel_loop3A_187, %parallel_loop3A_188] {strides = array<i32>} : memref<64x128xf32, #tpu.memory_space<vmem>>, vector<1x16xf32>,
        %parallel_loop3A_190 = vector.shape_cast %parallel_loop3A_189 : vector<1x16xf32> to vector<16xf32>
        %parallel_loop3A_191 = arith.mulf %parallel_loop3A_170, %parallel_loop3A_186 : vector<16xf32>
        %parallel_loop3A_192 = arith.mulf %parallel_loop3A_174, %parallel_loop3A_190 : vector<16xf32>
        %parallel_loop3A_193 = arith.addf %parallel_loop3A_191, %parallel_loop3A_192 : vector<16xf32>
        %parallel_loop3A_194 = arith.mulf %parallel_loop3A_170, %parallel_loop3A_190 : vector<16xf32>
        %parallel_loop3A_195 = arith.mulf %parallel_loop3A_174, %parallel_loop3A_186 : vector<16xf32>
        %parallel_loop3A_196 = arith.subf %parallel_loop3A_194, %parallel_loop3A_195 : vector<16xf32>
        %parallel_loop3A_197 = arith.mulf %parallel_loop3A_178, %parallel_loop3A_193 : vector<16xf32>
        %parallel_loop3A_198 = arith.addf %scan3A_85, %parallel_loop3A_197 : vector<16xf32>
        %parallel_loop3A_199 = arith.mulf %parallel_loop3A_182, %parallel_loop3A_196 : vector<16xf32>
        %parallel_loop3A_200 = arith.addf %parallel_loop3A_198, %parallel_loop3A_199 : vector<16xf32>
        %parallel_loop3A_201 = arith.constant 4 : i32
        %parallel_loop3A_202 = arith.muli %scan3A, %parallel_loop3A_201 : i32
        %parallel_loop3A_203 = arith.constant 3 : i32
        %parallel_loop3A_204 = arith.addi %parallel_loop3A_202, %parallel_loop3A_203 : i32
        %parallel_loop3A_205 = arith.index_cast %parallel_loop3A_204 : i32 to index
        %parallel_loop3A_206 = arith.index_cast %parallel_loop3A_61 : i32 to index
        %parallel_loop3A_207 = tpu.vector_load %arg9[%parallel_loop3A_205, %parallel_loop3A_206] {strides = array<i32>} : memref<64x128xf32, #tpu.memory_space<vmem>>, vector<1x16xf32>,
        %parallel_loop3A_208 = vector.shape_cast %parallel_loop3A_207 : vector<1x16xf32> to vector<16xf32>
        %parallel_loop3A_209 = arith.index_cast %parallel_loop3A_204 : i32 to index
        %parallel_loop3A_210 = arith.index_cast %parallel_loop3A_61 : i32 to index
        %parallel_loop3A_211 = tpu.vector_load %arg10[%parallel_loop3A_209, %parallel_loop3A_210] {strides = array<i32>} : memref<64x128xf32, #tpu.memory_space<vmem>>, vector<1x16xf32>,
        %parallel_loop3A_212 = vector.shape_cast %parallel_loop3A_211 : vector<1x16xf32> to vector<16xf32>
        %parallel_loop3A_213 = arith.index_cast %parallel_loop3A_204 : i32 to index
        %parallel_loop3A_214 = arith.index_cast %parallel_loop3A_61 : i32 to index
        %parallel_loop3A_215 = tpu.vector_load %arg11[%parallel_loop3A_213, %parallel_loop3A_214] {strides = array<i32>} : memref<64x128xf32, #tpu.memory_space<vmem>>, vector<1x16xf32>,
        %parallel_loop3A_216 = vector.shape_cast %parallel_loop3A_215 : vector<1x16xf32> to vector<16xf32>
        %parallel_loop3A_217 = arith.index_cast %parallel_loop3A_204 : i32 to index
        %parallel_loop3A_218 = arith.index_cast %parallel_loop3A_61 : i32 to index
        %parallel_loop3A_219 = tpu.vector_load %arg12[%parallel_loop3A_217, %parallel_loop3A_218] {strides = array<i32>} : memref<64x128xf32, #tpu.memory_space<vmem>>, vector<1x16xf32>,
        %parallel_loop3A_220 = vector.shape_cast %parallel_loop3A_219 : vector<1x16xf32> to vector<16xf32>
        %parallel_loop3A_221 = arith.index_cast %parallel_loop3A_204 : i32 to index
        %parallel_loop3A_222 = arith.index_cast %parallel_loop3A_61 : i32 to index
        %parallel_loop3A_223 = tpu.vector_load %arg13[%parallel_loop3A_221, %parallel_loop3A_222] {strides = array<i32>} : memref<64x128xf32, #tpu.memory_space<vmem>>, vector<1x16xf32>,
        %parallel_loop3A_224 = vector.shape_cast %parallel_loop3A_223 : vector<1x16xf32> to vector<16xf32>
        %parallel_loop3A_225 = arith.index_cast %parallel_loop3A_204 : i32 to index
        %parallel_loop3A_226 = arith.index_cast %parallel_loop3A_61 : i32 to index
        %parallel_loop3A_227 = tpu.vector_load %arg14[%parallel_loop3A_225, %parallel_loop3A_226] {strides = array<i32>} : memref<64x128xf32, #tpu.memory_space<vmem>>, vector<1x16xf32>,
        %parallel_loop3A_228 = vector.shape_cast %parallel_loop3A_227 : vector<1x16xf32> to vector<16xf32>
        %parallel_loop3A_229 = arith.mulf %parallel_loop3A_208, %parallel_loop3A_224 : vector<16xf32>
        %parallel_loop3A_230 = arith.mulf %parallel_loop3A_212, %parallel_loop3A_228 : vector<16xf32>
        %parallel_loop3A_231 = arith.addf %parallel_loop3A_229, %parallel_loop3A_230 : vector<16xf32>
        %parallel_loop3A_232 = arith.mulf %parallel_loop3A_208, %parallel_loop3A_228 : vector<16xf32>
        %parallel_loop3A_233 = arith.mulf %parallel_loop3A_212, %parallel_loop3A_224 : vector<16xf32>
        %parallel_loop3A_234 = arith.subf %parallel_loop3A_232, %parallel_loop3A_233 : vector<16xf32>
        %parallel_loop3A_235 = arith.mulf %parallel_loop3A_216, %parallel_loop3A_231 : vector<16xf32>
        %parallel_loop3A_236 = arith.addf %scan3A_86, %parallel_loop3A_235 : vector<16xf32>
        %parallel_loop3A_237 = arith.mulf %parallel_loop3A_220, %parallel_loop3A_234 : vector<16xf32>
        %parallel_loop3A_238 = arith.addf %parallel_loop3A_236, %parallel_loop3A_237 : vector<16xf32>
        scf.yield %parallel_loop3A_124, %parallel_loop3A_162, %parallel_loop3A_200, %parallel_loop3A_238 : vector<16xf32>, vector<16xf32>, vector<16xf32>, vector<16xf32>
      }
      %parallel_loop3A_75 = arith.constant 16 : i32
      %parallel_loop3A_76 = arith.addf %parallel_loop3A_74#0, %parallel_loop3A_74#1 : vector<16xf32>
      %parallel_loop3A_77 = arith.addf %parallel_loop3A_74#2, %parallel_loop3A_74#3 : vector<16xf32>
      %parallel_loop3A_78 = arith.addf %parallel_loop3A_76, %parallel_loop3A_77 : vector<16xf32>
      %parallel_loop3A_79 = arith.index_cast %parallel_loop3A_61 : i32 to index
      %parallel_loop3A_80 = tpu.vector_load %arg15[%parallel_loop3A_79] {strides = array<i32>} : memref<128xf32, #tpu.memory_space<vmem>>, vector<16xf32>,
      %parallel_loop3A_81 = vector.shape_cast %parallel_loop3A_80 : vector<16xf32> to vector<16xf32>
      %parallel_loop3A_82 = vector.shape_cast %parallel_loop3A_78 : vector<16xf32> to vector<16xf32>
      tpu.vector_store %arg15[%parallel_loop3A_79], %parallel_loop3A_82 {strides = array<i32>} : memref<128xf32, #tpu.memory_space<vmem>>, vector<16xf32>,
    } {sc.loop_unroll_factor = 1 : i64, sc.parallel_access}
    %mul3A_53 = arith.constant 128 : i32
    %mul3A_54 = arith.muli %add3A, %mul3A_53 : i32
    %dma_start3A_55 = tpu.memref_slice %arg8[%mul3A_54] : memref<4096xf32, #tpu.memory_space<hbm>> -> memref<128xf32, #tpu.memory_space<hbm>>
    %dma_start3A_56 = tpu.memref_slice %arg8[%mul3A_54] : memref<4096xf32, #tpu.memory_space<hbm>> -> memref<128xf32, #tpu.memory_space<hbm>>
    tpu.enqueue_dma source(%arg15 : memref<128xf32, #tpu.memory_space<vmem>>) target(%dma_start3A_56 : memref<128xf32, #tpu.memory_space<hbm>>) target_semaphore(%arg17 : memref<!tpu.dma_semaphore, #tpu.memory_space<semaphore_mem>>)
    %dma_wait3A_57 = tpu.memref_slice %arg8[%mul3A_54] : memref<4096xf32, #tpu.memory_space<hbm>> -> memref<128xf32, #tpu.memory_space<hbm>>
    %dma_wait3A_58 = tpu.memref_slice %arg8[%mul3A_54] : memref<4096xf32, #tpu.memory_space<hbm>> -> memref<128xf32, #tpu.memory_space<hbm>>
    tpu.wait_dma2 semaphore(%arg17 : memref<!tpu.dma_semaphore, #tpu.memory_space<semaphore_mem>>) src(%arg15 : memref<128xf32, #tpu.memory_space<vmem>>) dst(%dma_wait3A_58 : memref<128xf32, #tpu.memory_space<hbm>>)
    return
  }
}

module attributes {stable_mosaic.version = 14 : i64} {
  func.func @_tc_block(%arg0: i32, %arg1: memref<64x3072xf32, #tpu.memory_space<vmem>>, %arg2: memref<64x3072xf32, #tpu.memory_space<vmem>>, %arg3: memref<64x3072xf32, #tpu.memory_space<vmem>>, %arg4: memref<64x3072xf32, #tpu.memory_space<vmem>>, %arg5: memref<64x3072xf32, #tpu.memory_space<vmem>>, %arg6: memref<64x3072xf32, #tpu.memory_space<vmem>>, %arg7: memref<1x3072xf32, #tpu.memory_space<vmem>>) attributes {dimension_semantics = [#tpu.dimension_semantics<parallel>], iteration_bounds = array<i64: 4>, scalar_prefetch = 0 : i64, scratch_operands = 0 : i64, tpu.core_type = #tpu.core_type<tc>, window_params = [{transform_indices = @transform_0, window_bounds = array<i64: 64, 3072>}, {transform_indices = @transform_1, window_bounds = array<i64: 64, 3072>}, {transform_indices = @transform_2, window_bounds = array<i64: 64, 3072>}, {transform_indices = @transform_3, window_bounds = array<i64: 64, 3072>}, {transform_indices = @transform_4, window_bounds = array<i64: 64, 3072>}, {transform_indices = @transform_5, window_bounds = array<i64: 64, 3072>}, {transform_indices = @transform_6, window_bounds = array<i64: 1, 3072>}]} {
    %get3A = arith.constant 0 : index
    %get3A_0 = arith.constant 0 : index
    %get3A_1 = vector.load %arg1[%get3A, %get3A_0] : memref<64x3072xf32, #tpu.memory_space<vmem>>, vector<64x3072xf32>
    %get3A_2 = arith.constant 0 : index
    %get3A_3 = arith.constant 0 : index
    %get3A_4 = vector.load %arg5[%get3A_2, %get3A_3] : memref<64x3072xf32, #tpu.memory_space<vmem>>, vector<64x3072xf32>
    %mul3A = arith.mulf %get3A_1, %get3A_4 : vector<64x3072xf32>
    %get3A_5 = arith.constant 0 : index
    %get3A_6 = arith.constant 0 : index
    %get3A_7 = vector.load %arg2[%get3A_5, %get3A_6] : memref<64x3072xf32, #tpu.memory_space<vmem>>, vector<64x3072xf32>
    %get3A_8 = arith.constant 0 : index
    %get3A_9 = arith.constant 0 : index
    %get3A_10 = vector.load %arg6[%get3A_8, %get3A_9] : memref<64x3072xf32, #tpu.memory_space<vmem>>, vector<64x3072xf32>
    %mul3A_11 = arith.mulf %get3A_7, %get3A_10 : vector<64x3072xf32>
    %add3A = arith.addf %mul3A, %mul3A_11 : vector<64x3072xf32>
    %get3A_12 = arith.constant 0 : index
    %get3A_13 = arith.constant 0 : index
    %get3A_14 = vector.load %arg1[%get3A_12, %get3A_13] : memref<64x3072xf32, #tpu.memory_space<vmem>>, vector<64x3072xf32>
    %get3A_15 = arith.constant 0 : index
    %get3A_16 = arith.constant 0 : index
    %get3A_17 = vector.load %arg6[%get3A_15, %get3A_16] : memref<64x3072xf32, #tpu.memory_space<vmem>>, vector<64x3072xf32>
    %mul3A_18 = arith.mulf %get3A_14, %get3A_17 : vector<64x3072xf32>
    %get3A_19 = arith.constant 0 : index
    %get3A_20 = arith.constant 0 : index
    %get3A_21 = vector.load %arg2[%get3A_19, %get3A_20] : memref<64x3072xf32, #tpu.memory_space<vmem>>, vector<64x3072xf32>
    %get3A_22 = arith.constant 0 : index
    %get3A_23 = arith.constant 0 : index
    %get3A_24 = vector.load %arg5[%get3A_22, %get3A_23] : memref<64x3072xf32, #tpu.memory_space<vmem>>, vector<64x3072xf32>
    %mul3A_25 = arith.mulf %get3A_21, %get3A_24 : vector<64x3072xf32>
    %sub3A = arith.subf %mul3A_18, %mul3A_25 : vector<64x3072xf32>
    %get3A_26 = arith.constant 0 : index
    %get3A_27 = arith.constant 0 : index
    %get3A_28 = vector.load %arg3[%get3A_26, %get3A_27] : memref<64x3072xf32, #tpu.memory_space<vmem>>, vector<64x3072xf32>
    %mul3A_29 = arith.mulf %get3A_28, %add3A : vector<64x3072xf32>
    %get3A_30 = arith.constant 0 : index
    %get3A_31 = arith.constant 0 : index
    %get3A_32 = vector.load %arg4[%get3A_30, %get3A_31] : memref<64x3072xf32, #tpu.memory_space<vmem>>, vector<64x3072xf32>
    %mul3A_33 = arith.mulf %get3A_32, %sub3A : vector<64x3072xf32>
    %add3A_34 = arith.addf %mul3A_29, %mul3A_33 : vector<64x3072xf32>
    %reduce_sum3A = arith.constant dense<0.000000e+00> : vector<3072xf32>
    %reduce_sum3A_35 = vector.multi_reduction <add>, %add3A_34, %reduce_sum3A [0] : vector<64x3072xf32> to vector<3072xf32>
    %broadcast_in_dim3A = vector.shape_cast %reduce_sum3A_35 : vector<3072xf32> to vector<1x3072xf32>
    %swap3A = arith.constant 0 : index
    %swap3A_36 = arith.constant 0 : index
    %swap3A_37 = vector.load %arg7[%swap3A, %swap3A_36] : memref<1x3072xf32, #tpu.memory_space<vmem>>, vector<1x3072xf32>
    tpu.vector_store %arg7[%swap3A, %swap3A_36], %broadcast_in_dim3A {strides = array<i32>} : memref<1x3072xf32, #tpu.memory_space<vmem>>, vector<1x3072xf32>,
    return
  }
  func.func @transform_0(%arg0: i32) -> (i32, i32) {
    %c0_i32 = arith.constant 0 : i32
    %c0_i32_0 = arith.constant 0 : i32
    return %c0_i32, %arg0 : i32, i32
  }
  func.func @transform_1(%arg0: i32) -> (i32, i32) {
    %c0_i32 = arith.constant 0 : i32
    %c0_i32_0 = arith.constant 0 : i32
    return %c0_i32, %arg0 : i32, i32
  }
  func.func @transform_2(%arg0: i32) -> (i32, i32) {
    %c0_i32 = arith.constant 0 : i32
    %c0_i32_0 = arith.constant 0 : i32
    return %c0_i32, %arg0 : i32, i32
  }
  func.func @transform_3(%arg0: i32) -> (i32, i32) {
    %c0_i32 = arith.constant 0 : i32
    %c0_i32_0 = arith.constant 0 : i32
    return %c0_i32, %arg0 : i32, i32
  }
  func.func @transform_4(%arg0: i32) -> (i32, i32) {
    %c0_i32 = arith.constant 0 : i32
    %c0_i32_0 = arith.constant 0 : i32
    return %c0_i32, %arg0 : i32, i32
  }
  func.func @transform_5(%arg0: i32) -> (i32, i32) {
    %c0_i32 = arith.constant 0 : i32
    %c0_i32_0 = arith.constant 0 : i32
    return %c0_i32, %arg0 : i32, i32
  }
  func.func @transform_6(%arg0: i32) -> (i32, i32) {
    %c0_i32 = arith.constant 0 : i32
    %c0_i32_0 = arith.constant 0 : i32
    return %c0_i32, %arg0 : i32, i32
  }
}

</mosaic_0001>

<sc_bundles>
// kernel: _score.4.cloned.1.call-start
scs
__scs_entry_jumppad:
0x0: {  	(pc) =	sbr.rel $0x88, $3  }
0x1: {  	(tag) =	ssettag $0x0;
	lr =	simm.s32 $0x1  }
0x2: {  	[smem:$0x3F9B] =	sst lr;
	_ =	strace $0xD0000000  }
0x3: {  	_ = 	snop  }
0x4: {  	_ = 	snop  }
0x5: {  	_ = 	snop  }
0x6: {  	_ = 	snop  }
0x7: {  	_ = 	snop  }
__scs_overlays_trampoline_lowered:
0x8: {  	[smem:$0x3FAA] =	sst s0  }
0x9: {  	[smem:$0x3FAB] =	sst s1  }
0xa: {  	[smem:$0x3FAC] =	sst s2  }
0xb: {  	[smem:$0x3FAD] =	sst s3  }
0xc: {  	[smem:$0x3FAE] =	sst s4  }
0xd: {  	[smem:$0x3FAF] =	sst s5  }
0xe: {  	[smem:$0x3FB0] =	sst s6  }
0xf: {  	[smem:$0x3FB1] =	sst s7  }
0x10: {  	[smem:$0x3FB2] =	sst s8  }
0x11: {  	[smem:$0x3FB3] =	sst s9;
	s0 =	simm.s32 @!p0 $0x0  }
0x12: {  	s1 =	sld [smem:$0x3F99];
	s0 =	simm.s32 @p0 $0x1  }
0x13: {  	[smem:$0x3FB4] =	sst s0;
	s0 =	simm.s32 @!p1 $0x0  }
0x14: {  	s2 =	sld [smem:$0x3F98];
	s0 =	simm.s32 @p1 $0x1  }
0x15: {  	[smem:$0x3FB5] =	sst s0;
	s0 =	simm.s32 @!p2 $0x0  }
0x16: {  	s3 =	sld [smem:$0x3FDB];
	s0 =	simm.s32 @p2 $0x1  }
0x17: {  	s4 =	simm.s32 $0x1BF5;
	[smem:$0x3FB7] =	sst s0  }
0x18: {  	s0 =	sld [smem:$0x3F9A];
	_ =	swait.ge [sflag:s4], $0x0  }
0x19: {  	s7 =	sld [smem:$0x3F9B]  }
0x1a: {  	s8 =	sadd.s32 $0xFFFFE003, lr  }
0x1b: {  	s9 =	sadd.s32 $0xFFFFFEF7, lr;
	s5 =	simm.s32 $0xFFFFFFFF;
	p2 =	slt.u32 s8, $0xFFFFF086  }
0x1c: {  	p1 =	slt.u32 s9, $0xF7A;
	s5 =	simm.s32 @!p2 $0x0  }
0x1d: {  	s5 =	simm.s32 @p1 $0x1;
	p0 =	seq.s32 s7, s2  }
0x1e: {  	s7 =	smul.u32 @!p0 $0xF7A, s2;
	p2 =	seq.s32 @!p0 s5, $0x0  }
0x1f: {  	s9 =	smul.u32 $0xF7A, s1;
	s8 =	simm.s32 @!p0 $0x1BF5;
	p2 =	por !p2, p0  }
0x20: {  	[sflag:s8] =	ssyncset.s32 @!p0 $0xFFFFF086;
	s6 =	sadd.s32 @!p0 s3, s7;
	s7 =	simm.s32 @!p0 $0x108  }
0x21: {  	s3 =	sadd.s32 s3, s9;
	s6 =	sadd.s32 @!p0 $0x88, s6;
	s7 =	simm.s32 @p2 $0x1082  }
0x22: {  	[simem:s7], [sflag:s8] =	dma.local @!p0 [hbm:s6], $0xF7A  }
0x23: {  	s9 =	sor.u32 $0xD0000000, s2;
	s6 =	simm.s32 $0x108;
	_ =	swait.ge @!p0 [sflag:s8], $0x0  }
0x24: {  	s3 =	sadd.s32 $0x88, s3;
	s6 =	simm.s32 @!p1 $0x1082;
	[sflag:s4] =	ssyncset.s32 $0xFFFFF086  }
0x25: {  	[simem:s6], [sflag:s4] =	dma.local [hbm:s3], $0xF7A  }
0x26: {  	[smem:$0x3F9B] =	sst s1;
	(tag) =	ssettag s2;
	_ =	strace s9  }
0x27: {  	s1 =	sld [smem:$0x3FAB]  }
0x28: {  	s2 =	sld [smem:$0x3FAC]  }
0x29: {  	s4 =	sld [smem:$0x3FAE]  }
0x2a: {  	p0 =	seq.s32 s5, $0x0;
	s5 =	sld [smem:$0x3FAF]  }
0x2b: {  	s6 =	sld [smem:$0x3FB0]  }
0x2c: {  	s7 =	sld [smem:$0x3FB1]  }
0x2d: {  	s3 =	simm.s32 $0x108;
	s8 =	sld [smem:$0x3FB2]  }
0x2e: {  	s3 =	simm.s32 @!p0 $0x1082;
	s9 =	sld [smem:$0x3FB3]  }
0x2f: {  	lr =	sadd.s32 s0, s3;
	s0 =	sld [smem:$0x3FAA]  }
0x30: {  	s3 =	sld [smem:$0x3FAD]  }
0x31: {  	[smem:$0x3FB6] =	sst s10  }
0x32: {  	s10 =	sld [smem:$0x3FB4];
	_ =	sdelay $0x3  }
0x33: {  	p0 =	seq.s32 s10, $0x1;
	s10 =	sld [smem:$0x3FB6];
	_ =	sdelay $0x3  }
0x34: {  	[smem:$0x3FB6] =	sst s10  }
0x35: {  	s10 =	sld [smem:$0x3FB5];
	_ =	sdelay $0x3  }
0x36: {  	p1 =	seq.s32 s10, $0x1;
	s10 =	sld [smem:$0x3FB6];
	_ =	sdelay $0x3  }
0x37: {  	[smem:$0x3FB6] =	sst s10  }
0x38: {  	s10 =	sld [smem:$0x3FB7]  }
0x39: {  	_ = 	snop;
	(pc) =	sbr.ind lr, $3  }
0x3a: {  	_ = 	snop  }
0x3b: {  	_ = 	snop  }
0x3c: {  	p2 =	seq.s32 s10, $0x1;
	s10 =	sld [smem:$0x3FB6]  }
0x3d: {  	_ =	shalt  }
0x3e: {  	_ =	shalt  }
0x3f: {  	_ =	shalt  }
0x40: {  	_ =	shalt  }
0x41: {  	_ =	shalt  }
0x42: {  	_ =	shalt  }
0x43: {  	_ =	shalt  }
0x44: {  	_ =	shalt  }
0x45: {  	_ =	shalt  }
0x46: {  	_ =	shalt  }
0x47: {  	_ =	shalt  }
0x48: {  	_ =	shalt  }
0x49: {  	_ =	shalt  }
0x4a: {  	_ =	shalt  }
0x4b: {  	_ =	shalt  }
0x4c: {  	_ =	shalt  }
0x4d: {  	_ =	shalt  }
0x4e: {  	_ =	shalt  }
0x4f: {  	_ =	shalt  }
0x50: {  	_ =	shalt  }
0x51: {  	_ =	shalt  }
0x52: {  	_ =	shalt  }
0x53: {  	_ =	shalt  }
0x54: {  	_ =	shalt  }
0x55: {  	_ =	shalt  }
0x56: {  	_ =	shalt  }
0x57: {  	_ =	shalt  }
0x58: {  	_ =	shalt  }
0x59: {  	_ =	shalt  }
0x5a: {  	_ =	shalt  }
0x5b: {  	_ =	shalt  }
0x5c: {  	_ =	shalt  }
0x5d: {  	_ =	shalt  }
0x5e: {  	_ =	shalt  }
0x5f: {  	_ =	shalt  }
0x60: {  	_ =	shalt  }
0x61: {  	_ =	shalt  }
0x62: {  	_ =	shalt  }
0x63: {  	_ =	shalt  }
0x64: {  	_ =	shalt  }
0x65: {  	_ =	shalt  }
0x66: {  	_ =	shalt  }
0x67: {  	_ =	shalt  }
0x68: {  	_ =	shalt  }
0x69: {  	_ =	shalt  }
0x6a: {  	_ =	shalt  }
0x6b: {  	_ =	shalt  }
0x6c: {  	_ =	shalt  }
0x6d: {  	_ =	shalt  }
0x6e: {  	_ =	shalt  }
0x6f: {  	_ =	shalt  }
0x70: {  	_ =	shalt  }
0x71: {  	_ =	shalt  }
0x72: {  	_ =	shalt  }
0x73: {  	_ =	shalt  }
0x74: {  	_ =	shalt  }
0x75: {  	_ =	shalt  }
0x76: {  	_ =	shalt  }
0x77: {  	_ =	shalt  }
0x78: {  	_ =	shalt  }
0x79: {  	_ =	shalt  }
0x7a: {  	_ =	shalt  }
0x7b: {  	_ =	shalt  }
0x7c: {  	_ =	shalt  }
0x7d: {  	_ =	shalt  }
0x7e: {  	_ =	shalt  }
0x7f: {  	_ =	shalt  }
0x80: {  	_ =	shalt  }
0x81: {  	_ =	shalt  }
0x82: {  	_ =	shalt  }
0x83: {  	_ =	shalt  }
0x84: {  	_ =	shalt  }
0x85: {  	_ =	shalt  }
0x86: {  	_ =	shalt  }
0x87: {  	_ =	shalt  }
.Lfunc_end0:
.L_simem_size_0:
called_computation_lowered:
.L_overlay_start_0:
0x88: {  	s2 =	sld [smem:$0x3FD9]  }
0x89: {  	s3 =	sld [smem:$0x3FFE];
	_ =	sdelay $0x1  }
0x8a: {  	s1 =	srdreg.scid  }
0x8b: {  	s0 =	sand.u32 $0x1, s1  }
0x8c: {  	s17 =	sshll.u32 s0, $0xA;
	s2 =	sadd.s32 s3, s2  }
0x8d: {  	s2 =	sadd.s32 s2, s17  }
0x8e: {  	[smem:$0x3FC2] =	sst s2  }
0x8f: {  	_ = 	snop  }
0x90: {  	s2 =	sld [smem:$0x3FC9]  }
0x91: {  	s18 =	sld [smem:$0x3FC8]  }
0x92: {  	s4 =	sld [smem:$0x3FC7]  }
0x93: {  	s5 =	sld [smem:$0x3FC6]  }
0x94: {  	s6 =	sld [smem:$0x3FC5]  }
0x95: {  	s7 =	sld [smem:$0x3FC4];
	(tm) =	ssettm $0x1  }
0x96: {  	s8 =	sld [smem:$0x3FFB];
	_ =	sdelay $0x3  }
0x97: {  	_ =	strace s8  }
0x98: {  	s8 =	sld [smem:$0x3FFC];
	_ =	sdelay $0x3  }
0x99: {  	_ =	strace s8  }
0x9a: {  	s8 =	sld [smem:$0x3FFD];
	_ =	sdelay $0x3  }
0x9b: {  	_ =	strace s8  }
0x9c: {  	_ =	strace $0x8FFFFFFF  }
0x9d: {  	s19 =	sld [smem:$0x3FDB];
	_ =	sdelay $0x1  }
0x9e: {  	s9 =	simm.s32 $_scs_section_size  }
0x9f: {  	s10 =	simm.s32 $_size__tile_overlayer_lowered;
	s11 =	simm.s32 $_tile_overlayer_lowered  }
0xa0: {  	s22 =	simm.s32 $0x1BFF;
	s21 =	sshll.u32 s11, $0x1;
	s8 =	sadd.s32 s9, s19  }
0xa1: {  	s12 =	simm.s32 $0x0;
	s20 =	sshll.u32 s10, $0x1;
	s10 =	sadd.s32 s21, s8  }
0xa2: {  	[timem:s12], [sflag:s22] =	dma.local [hbm:s10], s20  }
0xa3: {  	_ =	swait.ge [sflag:s22], s20  }
0xa4: {  	s9 =	ssub.s32 $0x0, s20;
	[sflag:s22] =	ssyncset.done $0x0  }
0xa5: {  	[sflag:s22] =	ssyncadd.s32 s9;
	_ =	sdelay $0x1  }
0xa6: {  	s23 =	simm.s32 $0x1B8B  }
0xa7: {  	_ =	swait.ge [sflag:s23], $0x1  }
0xa8: {  	[sflag:s23] =	ssyncset.done $0x0  }
0xa9: {  	s25 =	simm.s32 $0x1B8E;
	s24 =	sld [smem:$0x3FFE];
	[sflag:s23] =	ssyncadd.s32 $0xFFFFFFFF  }
0xaa: {  	s26 =	simm.s32 $execute0_lowered;
	[smem:$0x3FD2] =	sst s25  }
0xab: {  	s10 =	sshll.u32 s26, $0x1;
	_ =	strace $0x80000046;
	[dreg:$0x1] =	wrdreg $0xFFFFFFFF  }
0xac: {  	s28 =	simm.s32 $_size_execute0_lowered;
	s8 =	sadd.s32 s8, s10;
	[dreg:$0x0] =	wrdreg $0x0  }
0xad: {  	s10 =	sshll.u32 s28, $0x1;
	[dreg:$0x2] =	wrdreg s8  }
0xae: {  	[dreg:$0x3] =	wrdreg s10  }
0xaf: {  	[dreg:$0x4] =	wrdreg $0xC0  }
0xb0: {  	_ =	task [dreg:s12], $0x5FFFF  }
0xb1: {  	[dreg:$0x1] =	wrdreg $0xFFFFFFFF  }
0xb2: {  	[dreg:$0x0] =	wrdreg $0x60  }
0xb3: {  	[dreg:$0x2] =	wrdreg s2  }
0xb4: {  	[dreg:$0x3] =	wrdreg s18  }
0xb5: {  	[dreg:$0x4] =	wrdreg s4  }
0xb6: {  	[dreg:$0x5] =	wrdreg s5  }
0xb7: {  	[dreg:$0x6] =	wrdreg s6  }
0xb8: {  	[dreg:$0x7] =	wrdreg s7  }
0xb9: {  	[dreg:$0x8] =	wrdreg s24  }
0xba: {  	[dreg:$0x9] =	wrdreg $0x9  }
0xbb: {  	_ =	task.clear_ibuf [dreg:s12], $0xAFFFF;
	_ =	strace $0x90000046  }
0xbc: {  	s29 =	simm.s32 $0x9;
	_ =	strace $0x80000048  }
0xbd: {  	_ =	swait.ge [sflag:s29], $0x1  }
0xbe: {  	[sflag:s29] =	ssyncadd.s32 $0xFFFFFFFF  }
0xbf: {  	_ =	strace $0x90000048  }
0xc0: {  	_ =	sfence  }
0xc1: {  	s30 =	sld [smem:$0x0];
	_ =	sdelay $0x2  }
0xc2: {  	s31 =	sshll.u32 s1, $0xD;
	s1 =	sshrl.u32 s1, $0x2  }
0xc3: {  	s3 =	sand.u32 $0x4000, s31;
	s1 =	sadd.s32 s1, s30  }
0xc4: {  	s0 =	sor.u32 s3, s0;
	s1 =	sshll.u32 s1, $0x11  }
0xc5: {  	s0 =	sor.u32 s1, s0  }
0xc6: {  	s0 =	sadd.s32 $0x8F2B, s0  }
0xc7: {  	[sflag:s0] =	ssyncadd.remote.s32 $0x1  }
0xc8: {  	_ =	sfence.sel $0xFFFF  }
0xc9: {  	[dreg:$0x0] =	wrdreg $0xFFFFFFFF;
	(pc) =	sbr.abs _section_cstart, $3  }
0xca: {  	[dreg:$0x1] =	wrdreg $0xFFFFFFFF  }
0xcb: {  	_ =	task.clear_ibuf [dreg:s12], $0x2FFFF;
	_ =	strace $0x9FFFFFFF  }
0xcc: {  	(tm) =	ssettm $0x7FFFFFFF  }
0xcd: {  	_ =	shalt  }
tec
execute0_lowered:
.L_overlay_start_1:
0x0: {  	(tag) =	ssettag $0x1  }
0x1: {  	s3 =	rddreg [dreg:$0x0]  }
0x2: {  	s4 =	rddreg [dreg:$0x1]  }
0x3: {  	s5 =	rddreg [dreg:$0x2]  }
0x4: {  	s6 =	rddreg [dreg:$0x3]  }
0x5: {  	s7 =	rddreg [dreg:$0x4]  }
0x6: {  	s8 =	rddreg [dreg:$0x5]  }
0x7: {  	s9 =	rddreg [dreg:$0x6];
	s2 =	srdreg.scid  }
0x8: {  	s0 =	rddreg [dreg:$0x7];
	s1 =	stileid.u32;
	s14 =	simm.s32 $0x1  }
0x9: {  	s15 =	simm.s32 $0xC000;
	s16 =	simm.s32 $0x2;
	s17 =	simm.s32 $0x0  }
0xa: {  	s10 =	sand.u32 $0x1, s2;
	s2 =	simm.s32 $0x0;
	s11 =	sshll.u32 s1, $0x8  }
0xb: {  	s12 =	sshll.u32 s10, $0x7;
	[smem:$0x7FF] =	sst s2;
	s10 =	ssub.s32 $0x2, s10  }
0xc: {  	s11 =	sor.u32 s12, s11;
	_ =	strace $0x80000047;
	s13 =	sshrl.u32 s10, $0x1  }
0xd: {  	s12 =	sshrl.u32 s11, $0x3;
	s10 =	ssub.s32 s10, s13;
	s11 =	sor.u32 $0x3000, s11  }
0xe: {  	s13 =	simm.s32 $0xA000;
	s9 =	sadd.s32 s12, s9;
	s3 =	sadd.s32 s3, s11  }
0xf: {  	s4 =	sadd.s32 s4, s11;
	s5 =	sadd.s32 s5, s11;
	s6 =	sadd.s32 s6, s11  }
0x10: {  	s7 =	sadd.s32 s7, s11;
	s8 =	sadd.s32 s8, s11;
	s10 =	smax.u32 s10, $0x1  }
0x11: {  	s11 =	simm.s32 $0x400;
	s12 =	simm.s32 $0x20000;
	s9 =	sadd.s32 $0xE00, s9  }
.LBB2_1:
0x12: {  	[tilespmem:s2], [sflag:$0x1] =	stream.strided.gather [hbm4b:s3+s11], $0x2000, s12, s11, $0x38;
	[tilespmem:$0xC080] =	vst v63  }
0x13: {  	s18 =	simm.s32 $0x2000  }
0x14: {  	[tilespmem:s18], [sflag:$0x1] =	stream.strided.gather [hbm4b:s4+s11], $0x2000, s12, s11, $0x38;
	[tilespmem:$0xC080] =	vst v63  }
0x15: {  	s19 =	simm.s32 $0x4000  }
0x16: {  	[tilespmem:s19], [sflag:$0x1] =	stream.strided.gather [hbm4b:s5+s11], $0x2000, s12, s11, $0x38;
	[tilespmem:$0xC080] =	vst v63  }
0x17: {  	s20 =	simm.s32 $0x6000  }
0x18: {  	[tilespmem:s20], [sflag:$0x1] =	stream.strided.gather [hbm4b:s6+s11], $0x2000, s12, s11, $0x38;
	[tilespmem:$0xC080] =	vst v63  }
0x19: {  	s21 =	simm.s32 $0x8000  }
0x1a: {  	[tilespmem:s21], [sflag:$0x1] =	stream.strided.gather [hbm4b:s7+s11], $0x2000, s12, s11, $0x38;
	[tilespmem:$0xC080] =	vst v63  }
0x1b: {  	_ = 	snop  }
0x1c: {  	[tilespmem:s13], [sflag:$0x1] =	stream.strided.gather [hbm4b:s8+s11], $0x2000, s12, s11, $0x38;
	[tilespmem:$0xC080] =	vst v63  }
0x1d: {  	_ =	swait.ge [sflag:s14], $0x2000  }
0x1e: {  	[sflag:s14] =	ssyncset.done $0x0  }
0x1f: {  	[sflag:s14] =	ssyncadd.s32 $0xFFFFE000  }
0x20: {  	_ =	swait.ge [sflag:s14], $0x2000  }
0x21: {  	[sflag:s14] =	ssyncset.done $0x0  }
0x22: {  	[sflag:s14] =	ssyncadd.s32 $0xFFFFE000  }
0x23: {  	_ =	swait.ge [sflag:s14], $0x2000  }
0x24: {  	[sflag:s14] =	ssyncset.done $0x0  }
0x25: {  	[sflag:s14] =	ssyncadd.s32 $0xFFFFE000  }
0x26: {  	_ =	swait.ge [sflag:s14], $0x2000  }
0x27: {  	[sflag:s14] =	ssyncset.done $0x0  }
0x28: {  	[sflag:s14] =	ssyncadd.s32 $0xFFFFE000  }
0x29: {  	_ =	swait.ge [sflag:s14], $0x2000  }
0x2a: {  	[sflag:s14] =	ssyncset.done $0x0  }
0x2b: {  	[sflag:s14] =	ssyncadd.s32 $0xFFFFE000  }
0x2c: {  	_ =	swait.ge [sflag:s14], $0x2000  }
0x2d: {  	s22 =	simm.s32 $0xA100;
	[sflag:s14] =	ssyncset.done $0x0  }
0x2e: {  	s23 =	simm.s32 $0x0;
	s24 =	simm.s32 $0x0;
	[sflag:s14] =	ssyncadd.s32 $0xFFFFE000  }
.LBB2_2:
0x2f: {  	v5 =	vmov s23  }
0x30: {  	v2 =	vmov s18  }
0x31: {  	v7 =	vmov s21  }
0x32: {  	v8 =	vmov s22  }
0x33: {  	s26 =	simm.s32 $0x0  }
0x34: {  	v11 =	vld.idx.msk [tilespmem:v5+s26+$0x0 ss:$0x1], $0xffff  }
0x35: {  	v10 =	vld.idx.msk [tilespmem:v2+s26+$0x0 ss:$0x1], $0xffff  }
0x36: {  	v13 =	vld.idx.msk [tilespmem:v7+s26+$0x0 ss:$0x1], $0xffff  }
0x37: {  	v12 =	vld.idx.msk [tilespmem:v8+s26+$0xFFFFFF00 ss:$0x1], $0xffff  }
0x38: {  	v14 =	vld.idx.msk [tilespmem:v5+s26+$0x80 ss:$0x1], $0xffff  }
0x39: {  	v15 =	vld.idx.msk [tilespmem:v2+s26+$0x80 ss:$0x1], $0xffff  }
0x3a: {  	v21 =	vld.idx.msk [tilespmem:v7+s26+$0x80 ss:$0x1], $0xffff  }
0x3b: {  	v20 =	vld.idx.msk [tilespmem:v8+s26+$0xFFFFFF80 ss:$0x1], $0xffff  }
0x3c: {  	v22 =	vld.idx.msk [tilespmem:v5+s26+$0x100 ss:$0x1], $0xffff  }
0x3d: {  	v0 =	vmov s20;
	v18 =	vld.idx.msk [tilespmem:v2+s26+$0x100 ss:$0x1], $0xffff  }
0x3e: {  	v26 =	vld.idx.msk [tilespmem:v7+s26+$0x100 ss:$0x1], $0xffff  }
0x3f: {  	v23 =	vld.idx.msk [tilespmem:v8+s26+$0x0 ss:$0x1], $0xffff  }
0x40: {  	v24 =	vld.idx.msk [tilespmem:v5+s26+$0x180 ss:$0x1], $0xffff  }
0x41: {  	v9 =	vmov s19;
	v19 =	vld.idx.msk [tilespmem:v8+s26+$0x80 ss:$0x1], $0xffff  }
0x42: {  	v16 =	vld.idx.msk [tilespmem:v0+s26+$0x0 ss:$0x1], $0xffff  }
0x43: {  	v1 =	vimm.f32 $0.0e+00;
	v6 =	vimm.f32 $0.0e+00;
	v3 =	vimm.f32 $0.0e+00;
	v17 =	vld.idx.msk [tilespmem:v0+s26+$0x80 ss:$0x1], $0xffff  }
0x44: {  	s25 =	sshll.u32 s24, $0x4;
	s28 =	simm.s32 $0x800;
	v4 =	vimm.f32 $0.0e+00;
	v25 =	vld.idx.msk [tilespmem:v7+s26+$0x180 ss:$0x1], $0xffff;
	v27 =	vmul.f32 v12, v11;
	v28 =	vmul.f32 v13, v10  }
.LBB2_3:
0x45: {  	p0 =	sne.s32 s28, $0x7800;
	v29 =	vmul.f32 v20, v14;
	v30 =	vmul.f32 v21, v15;
	v31 =	vld.idx.msk [tilespmem:v2+s26+$0x180 ss:$0x1], $0xffff  }
0x46: {  	v33 =	vmul.f32 v23, v22;
	v34 =	vmul.f32 v26, v18;
	v32 =	vld.idx.msk [tilespmem:v9+s26+$0x0 ss:$0x1], $0xffff  }
0x47: {  	v11 =	vmul.f32 v13, v11;
	v36 =	vmul.f32 v19, v24;
	v35 =	vld.idx.msk [tilespmem:v9+s26+$0x80 ss:$0x1], $0xffff  }
0x48: {  	v10 =	vmul.f32 v12, v10;
	v12 =	vmul.f32 v21, v14;
	v14 =	vld.idx.msk [tilespmem:v9+s26+$0x100 ss:$0x1], $0xffff  }
0x49: {  	v13 =	vmul.f32 v20, v15;
	v15 =	vmul.f32 v26, v22;
	v20 =	vld.idx.msk [tilespmem:v9+s26+$0x180 ss:$0x1], $0xffff  }
0x4a: {  	v18 =	vmul.f32 v23, v18;
	v21 =	vsub.f32 v27, v28;
	v23 =	vmul.f32 v25, v24;
	v22 =	vld.idx.msk [tilespmem:v0+s26+$0x100 ss:$0x1], $0xffff  }
0x4b: {  	v26 =	vsub.f32 v29, v30;
	v24 =	vadd.f32 v10, v11;
	v19 =	vmul.f32 v19, v31;
	v27 =	vld.idx.msk [tilespmem:v0+s26+$0x180 ss:$0x1], $0xffff;
	s26 =	sshra.s32 s28, $0x2  }
0x4c: {  	v12 =	vadd.f32 v13, v12;
	v15 =	vadd.f32 v18, v15;
	v18 =	vmul.f32 v25, v31;
	v11 =	vld.idx.msk [tilespmem:v5+s26+$0x0 ss:$0x1], $0xffff  }
0x4d: {  	v16 =	vmul.f32 v21, v16;
	v17 =	vmul.f32 v26, v17;
	v19 =	vadd.f32 v19, v23;
	v10 =	vld.idx.msk [tilespmem:v2+s26+$0x0 ss:$0x1], $0xffff  }
0x4e: {  	v21 =	vmul.f32 v24, v32;
	v24 =	vsub.f32 v33, v34;
	v23 =	vmul.f32 v12, v35;
	v13 =	vld.idx.msk [tilespmem:v7+s26+$0x0 ss:$0x1], $0xffff  }
0x4f: {  	v18 =	vsub.f32 v36, v18;
	v25 =	vmul.f32 v15, v14;
	v19 =	vmul.f32 v19, v20;
	v12 =	vld.idx.msk [tilespmem:v8+s26+$0xFFFFFF00 ss:$0x1], $0xffff  }
0x50: {  	v1 =	vadd.f32 v21, v1;
	v6 =	vadd.f32 v23, v6;
	v22 =	vmul.f32 v24, v22;
	v14 =	vld.idx.msk [tilespmem:v5+s26+$0x80 ss:$0x1], $0xffff  }
0x51: {  	v3 =	vadd.f32 v25, v3;
	v4 =	vadd.f32 v19, v4;
	v18 =	vmul.f32 v18, v27;
	v15 =	vld.idx.msk [tilespmem:v2+s26+$0x80 ss:$0x1], $0xffff  }
0x52: {  	v1 =	vadd.f32 v1, v16;
	v6 =	vadd.f32 v6, v17;
	v21 =	vld.idx.msk [tilespmem:v7+s26+$0x80 ss:$0x1], $0xffff  }
0x53: {  	v3 =	vadd.f32 v3, v22;
	v4 =	vadd.f32 v4, v18;
	v20 =	vld.idx.msk [tilespmem:v8+s26+$0xFFFFFF80 ss:$0x1], $0xffff  }
0x54: {  	v22 =	vld.idx.msk [tilespmem:v5+s26+$0x100 ss:$0x1], $0xffff  }
0x55: {  	v18 =	vld.idx.msk [tilespmem:v2+s26+$0x100 ss:$0x1], $0xffff  }
0x56: {  	v26 =	vld.idx.msk [tilespmem:v7+s26+$0x100 ss:$0x1], $0xffff  }
0x57: {  	v23 =	vld.idx.msk [tilespmem:v8+s26+$0x0 ss:$0x1], $0xffff  }
.Ltmp0:
0x58: {  	v24 =	vld.idx.msk [tilespmem:v5+s26+$0x180 ss:$0x1], $0xffff;
	(pc) =	sbr.rel @p0 .LBB2_3-.Ltmp0, $4  }
0x59: {  	v19 =	vld.idx.msk [tilespmem:v8+s26+$0x80 ss:$0x1], $0xffff  }
0x5a: {  	v16 =	vld.idx.msk [tilespmem:v0+s26+$0x0 ss:$0x1], $0xffff  }
0x5b: {  	v17 =	vld.idx.msk [tilespmem:v0+s26+$0x80 ss:$0x1], $0xffff  }
0x5c: {  	s28 =	sadd.s32 $0x800, s28;
	v28 =	vmul.f32 v13, v10;
	v27 =	vmul.f32 v12, v11;
	v25 =	vld.idx.msk [tilespmem:v7+s26+$0x180 ss:$0x1], $0xffff  }
0x5d: {  	_ =	sdelay $0x2  }
0x5e: {  	v5 =	vmul.f32 v20, v14;
	v7 =	vmul.f32 v21, v15  }
0x5f: {  	v2 =	vld.idx.msk [tilespmem:v2+s26+$0x180 ss:$0x1], $0xffff;
	v8 =	vmul.f32 v23, v22;
	v29 =	vmul.f32 v26, v18  }
0x60: {  	v30 =	vld.idx.msk [tilespmem:v9+s26+$0x0 ss:$0x1], $0xffff;
	v11 =	vmul.f32 v13, v11;
	v10 =	vmul.f32 v12, v10  }
0x61: {  	v31 =	vld.idx.msk [tilespmem:v9+s26+$0x80 ss:$0x1], $0xffff;
	v49 =	vmul.f32 v21, v14;
	v51 =	vmul.f32 v20, v15  }
0x62: {  	v50 =	vld.idx.msk [tilespmem:v9+s26+$0x100 ss:$0x1], $0xffff;
	v52 =	vmul.f32 v26, v22;
	v55 =	vmul.f32 v23, v18  }
0x63: {  	v53 =	vld.idx.msk [tilespmem:v9+s26+$0x180 ss:$0x1], $0xffff;
	v48 =	vmul.f32 v19, v24;
	v54 =	vsub.f32 v27, v28;
	v10 =	vadd.f32 v10, v11  }
0x64: {  	v57 =	vld.idx.msk [tilespmem:v0+s26+$0x100 ss:$0x1], $0xffff;
	v5 =	vsub.f32 v5, v7;
	v56 =	vmul.f32 v25, v24;
	v58 =	vmul.f32 v19, v2  }
0x65: {  	v59 =	vld.idx.msk [tilespmem:v0+s26+$0x180 ss:$0x1], $0xffff;
	v60 =	vadd.f32 v51, v49;
	v61 =	vadd.f32 v55, v52;
	v62 =	vmul.f32 v54, v16  }
0x66: {  	v5 =	vmul.f32 v5, v17;
	v2 =	vmul.f32 v25, v2;
	v7 =	vadd.f32 v58, v56  }
0x67: {  	v8 =	vsub.f32 v8, v29;
	v10 =	vmul.f32 v10, v30;
	v11 =	vmul.f32 v60, v31  }
0x68: {  	v12 =	vmul.f32 v61, v50;
	v2 =	vsub.f32 v48, v2;
	v7 =	vmul.f32 v7, v53  }
0x69: {  	v8 =	vmul.f32 v8, v57;
	v1 =	vadd.f32 v10, v1;
	v6 =	vadd.f32 v11, v6  }
0x6a: {  	v3 =	vadd.f32 v12, v3;
	v0 =	vmul.f32 v2, v59;
	v4 =	vadd.f32 v7, v4  }
0x6b: {  	v1 =	vadd.f32 v1, v62;
	v63 =	vadd.f32 v6, v5  }
0x6c: {  	s24 =	sadd.s32 $0x1, s24;
	v3 =	vadd.f32 v3, v8;
	v0 =	vadd.f32 v4, v0  }
0x6d: {  	p0 =	sne.s32 s24, $0x8  }
.Ltmp1:
0x6e: {  	v1 =	vadd.f32 v63, v1;
	v0 =	vadd.f32 v0, v3;
	(pc) =	sbr.rel @p0 .LBB2_2-.Ltmp1, $4  }
0x6f: {  	_ = 	snop  }
0x70: {  	v0 =	vadd.f32 v0, v1  }
0x71: {  	s22 =	sadd.s32 $0x10, s22;
	s21 =	sadd.s32 $0x10, s21;
	s20 =	sadd.s32 $0x10, s20  }
0x72: {  	s19 =	sadd.s32 $0x10, s19;
	s18 =	sadd.s32 $0x10, s18;
	s23 =	sadd.s32 $0x10, s23;
	[tilespmem:s25+$0xC000] =	vst v0  }
0x73: {  	s17 =	sadd.s32 $0x1, s17  }
0x74: {  	p0 =	sne.s32 s17, s10  }
.Ltmp2:
0x75: {  	_ = 	snop;
	(pc) =	sbr.rel @p0 .LBB2_1-.Ltmp2, $4  }
0x76: {  	[hbm4b:s9+s2] =	stream.linear.scatter [tilespmem:s15], [sflag:$0x2], $0x80, $0x38;
	[tilespmem:$0xC080] =	vst v63  }
0x77: {  	_ =	swait.ge [sflag:s16], $0x80  }
0x78: {  	[sflag:s16] =	ssyncset.done $0x0  }
0x79: {  	[sflag:s16] =	ssyncadd.s32 $0xFFFFFF80  }
0x7a: {  	_ =	sfence.sel $0x180000  }
0x7b: {  	[bflag:$0x0] =	sbarrier.arrive $0xFFFF  }
0x7c: {  	p0 =	sne.s32 s1, $0x0;
	_ =	strace $0x90000047  }
0x7d: {  	s0 =	sadd.s32 @!p0 $0x100000, s0;
	[bflag:$0x2] =	sbarrier.arrive $0xFFFF  }
0x7e: {  	[sflag:s0] =	ssyncadd.tile.s32 @!p0 $0x1;
	_ =	shalt  }
.Lfunc_end2:
_tile_overlayer_lowered:
.L_overlay_start_2:
0x7f: {  	(tag) =	ssettag $0x2  }
0x80: {  	s0 =	rddreg [dreg:$0x0];
	s2 =	stileid.u32  }
0x81: {  	s1 =	rddreg [dreg:$0x1];
	p0 =	sne.s32 s2, $0x0  }
0x82: {  	s3 =	rddreg [dreg:$0x2];
	[bflag:$0x3] =	sbarrier.arrive $0xFFFF;
	s2 =	simm.s32 @!p0 $0x1C03  }
0x83: {  	[timem:s3], [sflag:s2] =	dma.local @!p0 [hbm:s0], s1  }
0x84: {  	s0 =	simm.s32 @!p0 $0x3  }
0x85: {  	_ =	swait.ge @!p0 [sflag:s0], s1  }
0x86: {  	s1 =	ssub.s32 @!p0 $0x0, s1;
	[sflag:s0] =	ssyncset.done @!p0 $0x0  }
0x87: {  	[sflag:s0] =	ssyncadd.s32 @!p0 s1  }
0x88: {  	[bflag:$0x3] =	sbarrier.arrive $0xFFFF  }
0x89: {  	_ =	shalt  }

</sc_bundles>
